<compile_context>
chip_gen: v7x
topology: tpu7x:2x2x1
jax: 0.10.2.dev20260603
libtpu: 0.0.44.dev20260713+nightly
codegen_flags: <defaults>
</compile_context>

<pallas_src>
import jax
import jax.numpy as jnp
from jax import lax
from jax.experimental import pallas as pl
from jax.experimental.pallas import tpu as pltpu
from jax.experimental.pallas import tpu_sc as plsc

_MAX_RANKS = 50
_BATCH = 16384
_LIST_SIZE = 50
_TAB = 64
_NC = 2
_NS = 16
_NW = _NC * _NS
_COLS_W = _BATCH // _NW
_L = 16
_NQ = 4
_CQ = _COLS_W // _NQ
_KQ = _CQ // _L


def _sc_body(x_hbm, w_hbm, out_hbm, x0_v, x1_v, x2_v, x3_v, y_v, w_v, tab_v,
             sem0, sem1, sem2, sem3, sem_out):
    wid = lax.axis_index("s") * _NC + lax.axis_index("c")
    c0 = wid * _COLS_W

    xq = (x0_v, x1_v, x2_v, x3_v)
    sems = (sem0, sem1, sem2, sem3)
    ins = [
        pltpu.async_copy(x_hbm.at[:, pl.ds(c0 + q * _CQ, _CQ)], xq[q], sems[q])
        for q in range(_NQ)
    ]

    pltpu.sync_copy(w_hbm, w_v)
    zeros = jnp.zeros((_L,), jnp.float32)
    for s in (0, 16, 32, 48):
        tab_v[pl.ds(s, _L)] = zeros
    iota = lax.iota(jnp.int32, _L)
    for s in (0, 16, 32, 34):
        plsc.store_scatter(tab_v, [iota + (s + 1)], w_v[pl.ds(s, _L)])

    for q in range(_NQ):
        ins[q].wait()
        x_v = xq[q]

        @plsc.parallel_loop(0, _LIST_SIZE * _KQ, 1, unroll=8)
        def win(i, x_v=x_v, q=q):
            r = lax.shift_right_logical(i, 3)
            s = lax.bitwise_and(i, _KQ - 1) * _L
            x = x_v[r, pl.ds(s, _L)]
            j = lax.bitwise_and(x, _TAB - 1)
            y_v[pl.ds(r * _COLS_W + q * _CQ + s, _L)] = (
                plsc.load_gather(tab_v, [j]))

        if q % 2 == 1:
            h = q // 2

            def emit(r, carry, h=h):
                pltpu.async_copy(
                    y_v.at[pl.ds(r * _COLS_W + h * 2 * _CQ, 2 * _CQ)],
                    out_hbm.at[pl.ds(r * _BATCH + c0 + h * 2 * _CQ, 2 * _CQ)],
                    sem_out,
                )
                return carry

            lax.fori_loop(0, _LIST_SIZE, emit, 0)

    pltpu.make_async_copy(
        out_hbm.at[pl.ds(0, _LIST_SIZE * _COLS_W)],
        y_v,
        sem_out,
    ).wait()


def kernel(inputs, W):
    call = pl.kernel(
        _sc_body,
        out_type=jax.ShapeDtypeStruct((_BATCH * _LIST_SIZE,), jnp.float32),
        mesh=plsc.VectorSubcoreMesh(core_axis_name="c", subcore_axis_name="s"),
        compiler_params=pltpu.CompilerParams(
            needs_layout_passes=False, skip_device_barrier=True),
        scratch_types=[
            pltpu.VMEM((_LIST_SIZE, _CQ), jnp.int32),
            pltpu.VMEM((_LIST_SIZE, _CQ), jnp.int32),
            pltpu.VMEM((_LIST_SIZE, _CQ), jnp.int32),
            pltpu.VMEM((_LIST_SIZE, _CQ), jnp.int32),
            pltpu.VMEM((_LIST_SIZE * _COLS_W,), jnp.float32),
            pltpu.VMEM((_MAX_RANKS,), jnp.float32),
            pltpu.VMEM((_TAB,), jnp.float32),
            pltpu.SemaphoreType.DMA,
            pltpu.SemaphoreType.DMA,
            pltpu.SemaphoreType.DMA,
            pltpu.SemaphoreType.DMA,
            pltpu.SemaphoreType.DMA,
        ],
    )
    out = call(inputs.T, W.reshape(_MAX_RANKS))
    return out.reshape(_LIST_SIZE, 1, _BATCH).transpose(2, 0, 1)

# --- scband reference (transcript-rebuilt; emitter-appended) ---
"""Pipeline reference for scband-fixed-additive-positional-bias-69509750719001 (READ-ONLY COPY).

The authoritative reference and input builder live on the scoring server;
editing this copy changes nothing except your own understanding.
"""

import jax, jax.numpy as jnp
import numpy as np

MAX_RANKS = 50
BATCH = 16384
LIST_SIZE = 50


def setup_inputs(seed: int = 0) -> dict:
    key = jax.random.key(seed)
    k1, k2 = jax.random.split(key)
    # rank indices (the original layer expects 1-based ranks; randint in [0, 50))
    inputs = jax.random.randint(k1, (BATCH, LIST_SIZE), 0, MAX_RANKS, dtype=jnp.int32)
    # dense kernel: Dense(1, use_bias=False) over one-hot depth MAX_RANKS -> W[MAX_RANKS, 1]
    W = jax.random.normal(k2, (MAX_RANKS, 1), dtype=jnp.float32) * 0.02
    return {"inputs": inputs, "W": W}


def reference(inputs, W):
    # training=True path: one_hot(inputs - 1, depth=max_ranks) then Dense(1, no bias)
    idx = (inputs - 1).astype(jnp.int32)
    features = jax.nn.one_hot(idx, MAX_RANKS, dtype=jnp.float32)  # out-of-range (-1) -> all-zeros row, matching tf.one_hot
    out = jnp.matmul(features, W)  # [BATCH, LIST_SIZE, 1]
    return out

if __name__ == "__main__":
    import jax
    _d = setup_inputs()
    print(jax.jit(kernel)(*tuple(_d.values())))

</pallas_src>

<mosaic_0001>
#map = affine_map<(d0, d1) -> (0, 0)>
#map1 = affine_map<(d0, d1) -> (0)>
module attributes {stable_mosaic.version = 14 : i64} {
  func.func @_sc_body(%arg0: i32, %arg1: i32, %arg2: memref<50x16384xi32, #tpu.memory_space<hbm>>, %arg3: memref<50xf32, #tpu.memory_space<hbm>>, %arg4: memref<819200xf32, #tpu.memory_space<hbm>>, %arg5: memref<50x128xi32, #tpu.memory_space<vmem>>, %arg6: memref<50x128xi32, #tpu.memory_space<vmem>>, %arg7: memref<50x128xi32, #tpu.memory_space<vmem>>, %arg8: memref<50x128xi32, #tpu.memory_space<vmem>>, %arg9: memref<25600xf32, #tpu.memory_space<vmem>>, %arg10: memref<50xf32, #tpu.memory_space<vmem>>, %arg11: memref<64xf32, #tpu.memory_space<vmem>>, %arg12: memref<!tpu.dma_semaphore, #tpu.memory_space<semaphore_mem>>, %arg13: memref<!tpu.dma_semaphore, #tpu.memory_space<semaphore_mem>>, %arg14: memref<!tpu.dma_semaphore, #tpu.memory_space<semaphore_mem>>, %arg15: memref<!tpu.dma_semaphore, #tpu.memory_space<semaphore_mem>>, %arg16: memref<!tpu.dma_semaphore, #tpu.memory_space<semaphore_mem>>) attributes {dimension_semantics = [#tpu.dimension_semantics<core_parallel>, #tpu.dimension_semantics<subcore_parallel>], iteration_bounds = array<i64: 2, 16>, scalar_prefetch = 0 : i64, scratch_operands = 12 : i64, tpu.core_type = #tpu.core_type<sc_vector_subcore>, window_params = [{transform_indices = #map}, {transform_indices = #map1}, {transform_indices = #map1}]} {
    %mul3A = arith.constant 2 : i32
    %mul3A_0 = arith.muli %arg1, %mul3A : i32
    %add3A = arith.addi %mul3A_0, %arg0 : i32
    %mul3A_1 = arith.constant 512 : i32
    %mul3A_2 = arith.muli %add3A, %mul3A_1 : i32
    %add3A_3 = arith.constant 0 : i32
    %add3A_4 = arith.addi %mul3A_2, %add3A_3 : i32
    %dma_start3A = arith.constant 0 : i32
    %dma_start3A_5 = tpu.memref_slice %arg2[%dma_start3A, %add3A_4] : memref<50x16384xi32, #tpu.memory_space<hbm>> -> memref<50x128xi32, #tpu.memory_space<hbm>>
    %dma_start3A_6 = arith.constant 0 : i32
    %dma_start3A_7 = tpu.memref_slice %arg2[%dma_start3A_6, %add3A_4] : memref<50x16384xi32, #tpu.memory_space<hbm>> -> memref<50x128xi32, #tpu.memory_space<hbm>>
    tpu.enqueue_dma source(%dma_start3A_7 : memref<50x128xi32, #tpu.memory_space<hbm>>) target(%arg5 : memref<50x128xi32, #tpu.memory_space<vmem>>) target_semaphore(%arg12 : memref<!tpu.dma_semaphore, #tpu.memory_space<semaphore_mem>>)
    %add3A_8 = arith.constant 128 : i32
    %add3A_9 = arith.addi %mul3A_2, %add3A_8 : i32
    %dma_start3A_10 = arith.constant 0 : i32
    %dma_start3A_11 = tpu.memref_slice %arg2[%dma_start3A_10, %add3A_9] : memref<50x16384xi32, #tpu.memory_space<hbm>> -> memref<50x128xi32, #tpu.memory_space<hbm>>
    %dma_start3A_12 = arith.constant 0 : i32
    %dma_start3A_13 = tpu.memref_slice %arg2[%dma_start3A_12, %add3A_9] : memref<50x16384xi32, #tpu.memory_space<hbm>> -> memref<50x128xi32, #tpu.memory_space<hbm>>
    tpu.enqueue_dma source(%dma_start3A_13 : memref<50x128xi32, #tpu.memory_space<hbm>>) target(%arg6 : memref<50x128xi32, #tpu.memory_space<vmem>>) target_semaphore(%arg13 : memref<!tpu.dma_semaphore, #tpu.memory_space<semaphore_mem>>)
    %add3A_14 = arith.constant 256 : i32
    %add3A_15 = arith.addi %mul3A_2, %add3A_14 : i32
    %dma_start3A_16 = arith.constant 0 : i32
    %dma_start3A_17 = tpu.memref_slice %arg2[%dma_start3A_16, %add3A_15] : memref<50x16384xi32, #tpu.memory_space<hbm>> -> memref<50x128xi32, #tpu.memory_space<hbm>>
    %dma_start3A_18 = arith.constant 0 : i32
    %dma_start3A_19 = tpu.memref_slice %arg2[%dma_start3A_18, %add3A_15] : memref<50x16384xi32, #tpu.memory_space<hbm>> -> memref<50x128xi32, #tpu.memory_space<hbm>>
    tpu.enqueue_dma source(%dma_start3A_19 : memref<50x128xi32, #tpu.memory_space<hbm>>) target(%arg7 : memref<50x128xi32, #tpu.memory_space<vmem>>) target_semaphore(%arg14 : memref<!tpu.dma_semaphore, #tpu.memory_space<semaphore_mem>>)
    %add3A_20 = arith.constant 384 : i32
    %add3A_21 = arith.addi %mul3A_2, %add3A_20 : i32
    %dma_start3A_22 = arith.constant 0 : i32
    %dma_start3A_23 = tpu.memref_slice %arg2[%dma_start3A_22, %add3A_21] : memref<50x16384xi32, #tpu.memory_space<hbm>> -> memref<50x128xi32, #tpu.memory_space<hbm>>
    %dma_start3A_24 = arith.constant 0 : i32
    %dma_start3A_25 = tpu.memref_slice %arg2[%dma_start3A_24, %add3A_21] : memref<50x16384xi32, #tpu.memory_space<hbm>> -> memref<50x128xi32, #tpu.memory_space<hbm>>
    tpu.enqueue_dma source(%dma_start3A_25 : memref<50x128xi32, #tpu.memory_space<hbm>>) target(%arg8 : memref<50x128xi32, #tpu.memory_space<vmem>>) target_semaphore(%arg15 : memref<!tpu.dma_semaphore, #tpu.memory_space<semaphore_mem>>)
    "tpu.region"() ({
      %run_scoped3A = tpu.sem_alloc : memref<!tpu.dma_semaphore, #tpu.memory_space<semaphore_mem>>
      tpu.enqueue_dma source(%arg3 : memref<50xf32, #tpu.memory_space<hbm>>) target(%arg10 : memref<50xf32, #tpu.memory_space<vmem>>) target_semaphore(%run_scoped3A : memref<!tpu.dma_semaphore, #tpu.memory_space<semaphore_mem>>)
      tpu.wait_dma2 semaphore(%run_scoped3A : memref<!tpu.dma_semaphore, #tpu.memory_space<semaphore_mem>>) src(%arg3 : memref<50xf32, #tpu.memory_space<hbm>>) dst(%arg10 : memref<50xf32, #tpu.memory_space<vmem>>)
      tpu.yield
    }) : () -> ()
    %broadcast_in_dim3A = arith.constant 0.000000e+00 : f32
    %broadcast_in_dim3A_26 = vector.broadcast %broadcast_in_dim3A : f32 to vector<16xf32>
    %swap3A = arith.constant 0 : index
    %swap3A_27 = tpu.vector_load %arg11[%swap3A] {strides = array<i32>} : memref<64xf32, #tpu.memory_space<vmem>>, vector<16xf32>,
    tpu.vector_store %arg11[%swap3A], %broadcast_in_dim3A_26 {strides = array<i32>} : memref<64xf32, #tpu.memory_space<vmem>>, vector<16xf32>,
    %swap3A_28 = arith.constant 16 : index
    %swap3A_29 = tpu.vector_load %arg11[%swap3A_28] {strides = array<i32>} : memref<64xf32, #tpu.memory_space<vmem>>, vector<16xf32>,
    tpu.vector_store %arg11[%swap3A_28], %broadcast_in_dim3A_26 {strides = array<i32>} : memref<64xf32, #tpu.memory_space<vmem>>, vector<16xf32>,
    %swap3A_30 = arith.constant 32 : index
    %swap3A_31 = tpu.vector_load %arg11[%swap3A_30] {strides = array<i32>} : memref<64xf32, #tpu.memory_space<vmem>>, vector<16xf32>,
    tpu.vector_store %arg11[%swap3A_30], %broadcast_in_dim3A_26 {strides = array<i32>} : memref<64xf32, #tpu.memory_space<vmem>>, vector<16xf32>,
    %swap3A_32 = arith.constant 48 : index
    %swap3A_33 = tpu.vector_load %arg11[%swap3A_32] {strides = array<i32>} : memref<64xf32, #tpu.memory_space<vmem>>, vector<16xf32>,
    tpu.vector_store %arg11[%swap3A_32], %broadcast_in_dim3A_26 {strides = array<i32>} : memref<64xf32, #tpu.memory_space<vmem>>, vector<16xf32>,
    %iota3A = tpu.iota {dimensions = array<i32: 0>} : vector<16xi32>
    %add3A_34 = arith.constant 1 : i32
    %add3A_35 = vector.broadcast %add3A_34 : i32 to vector<16xi32>
    %add3A_36 = arith.addi %iota3A, %add3A_35 : vector<16xi32>
    %get3A = arith.constant 0 : index
    %get3A_37 = tpu.vector_load %arg10[%get3A] {strides = array<i32>} : memref<50xf32, #tpu.memory_space<vmem>>, vector<16xf32>,
    tpu.vector_store_idx %arg11[%add3A_36], %get3A_37 : memref<64xf32, #tpu.memory_space<vmem>>[vector<16xi32>], vector<16xf32>,
    %add3A_38 = arith.constant 17 : i32
    %add3A_39 = vector.broadcast %add3A_38 : i32 to vector<16xi32>
    %add3A_40 = arith.addi %iota3A, %add3A_39 : vector<16xi32>
    %get3A_41 = arith.constant 16 : index
    %get3A_42 = tpu.vector_load %arg10[%get3A_41] {strides = array<i32>} : memref<50xf32, #tpu.memory_space<vmem>>, vector<16xf32>,
    tpu.vector_store_idx %arg11[%add3A_40], %get3A_42 : memref<64xf32, #tpu.memory_space<vmem>>[vector<16xi32>], vector<16xf32>,
    %add3A_43 = arith.constant 33 : i32
    %add3A_44 = vector.broadcast %add3A_43 : i32 to vector<16xi32>
    %add3A_45 = arith.addi %iota3A, %add3A_44 : vector<16xi32>
    %get3A_46 = arith.constant 32 : index
    %get3A_47 = tpu.vector_load %arg10[%get3A_46] {strides = array<i32>} : memref<50xf32, #tpu.memory_space<vmem>>, vector<16xf32>,
    tpu.vector_store_idx %arg11[%add3A_45], %get3A_47 : memref<64xf32, #tpu.memory_space<vmem>>[vector<16xi32>], vector<16xf32>,
    %add3A_48 = arith.constant 35 : i32
    %add3A_49 = vector.broadcast %add3A_48 : i32 to vector<16xi32>
    %add3A_50 = arith.addi %iota3A, %add3A_49 : vector<16xi32>
    %get3A_51 = arith.constant 34 : index
    %get3A_52 = tpu.vector_load %arg10[%get3A_51] {strides = array<i32>} : memref<50xf32, #tpu.memory_space<vmem>>, vector<16xf32>,
    tpu.vector_store_idx %arg11[%add3A_50], %get3A_52 : memref<64xf32, #tpu.memory_space<vmem>>[vector<16xi32>], vector<16xf32>,
    %dma_wait3A = arith.constant 0 : i32
    %dma_wait3A_53 = tpu.memref_slice %arg2[%dma_wait3A, %add3A_4] : memref<50x16384xi32, #tpu.memory_space<hbm>> -> memref<50x128xi32, #tpu.memory_space<hbm>>
    %dma_wait3A_54 = arith.constant 0 : i32
    %dma_wait3A_55 = tpu.memref_slice %arg2[%dma_wait3A_54, %add3A_4] : memref<50x16384xi32, #tpu.memory_space<hbm>> -> memref<50x128xi32, #tpu.memory_space<hbm>>
    tpu.wait_dma2 semaphore(%arg12 : memref<!tpu.dma_semaphore, #tpu.memory_space<semaphore_mem>>) src(%dma_wait3A_55 : memref<50x128xi32, #tpu.memory_space<hbm>>) dst(%arg5 : memref<50x128xi32, #tpu.memory_space<vmem>>)
    %parallel_loop3A = arith.constant 0 : i32
    %parallel_loop3A_56 = arith.constant 400 : i32
    %parallel_loop3A_57 = arith.constant 1 : i32
    scf.for %parallel_loop3A_94 = %parallel_loop3A to %parallel_loop3A_56 step %parallel_loop3A_57  : i32 {
      %parallel_loop3A_95 = arith.constant 3 : i32
      %parallel_loop3A_96 = arith.shrui %parallel_loop3A_94, %parallel_loop3A_95 : i32
      %parallel_loop3A_97 = arith.constant 7 : i32
      %parallel_loop3A_98 = arith.andi %parallel_loop3A_94, %parallel_loop3A_97 : i32
      %parallel_loop3A_99 = arith.constant 16 : i32
      %parallel_loop3A_100 = arith.muli %parallel_loop3A_98, %parallel_loop3A_99 : i32
      %parallel_loop3A_101 = arith.index_cast %parallel_loop3A_96 : i32 to index
      %parallel_loop3A_102 = arith.index_cast %parallel_loop3A_100 : i32 to index
      %parallel_loop3A_103 = tpu.vector_load %arg5[%parallel_loop3A_101, %parallel_loop3A_102] {strides = array<i32>} : memref<50x128xi32, #tpu.memory_space<vmem>>, vector<16xi32>,
      %parallel_loop3A_104 = arith.constant 63 : i32
      %parallel_loop3A_105 = vector.broadcast %parallel_loop3A_104 : i32 to vector<16xi32>
      %parallel_loop3A_106 = arith.andi %parallel_loop3A_103, %parallel_loop3A_105 : vector<16xi32>
      %parallel_loop3A_107 = tpu.vector_load_idx %arg11[%parallel_loop3A_106] : memref<64xf32, #tpu.memory_space<vmem>>[vector<16xi32>], vector<16xf32>,
      %parallel_loop3A_108 = arith.constant 512 : i32
      %parallel_loop3A_109 = arith.muli %parallel_loop3A_96, %parallel_loop3A_108 : i32
      %parallel_loop3A_110 = arith.constant 0 : i32
      %parallel_loop3A_111 = arith.addi %parallel_loop3A_109, %parallel_loop3A_110 : i32
      %parallel_loop3A_112 = arith.addi %parallel_loop3A_111, %parallel_loop3A_100 : i32
      %parallel_loop3A_113 = arith.index_cast %parallel_loop3A_112 : i32 to index
      %parallel_loop3A_114 = tpu.vector_load %arg9[%parallel_loop3A_113] {strides = array<i32>} : memref<25600xf32, #tpu.memory_space<vmem>>, vector<16xf32>,
      tpu.vector_store %arg9[%parallel_loop3A_113], %parallel_loop3A_107 {strides = array<i32>} : memref<25600xf32, #tpu.memory_space<vmem>>, vector<16xf32>,
    } {sc.loop_unroll_factor = 8 : i64, sc.parallel_access}
    %dma_wait3A_58 = arith.constant 0 : i32
    %dma_wait3A_59 = tpu.memref_slice %arg2[%dma_wait3A_58, %add3A_9] : memref<50x16384xi32, #tpu.memory_space<hbm>> -> memref<50x128xi32, #tpu.memory_space<hbm>>
    %dma_wait3A_60 = arith.constant 0 : i32
    %dma_wait3A_61 = tpu.memref_slice %arg2[%dma_wait3A_60, %add3A_9] : memref<50x16384xi32, #tpu.memory_space<hbm>> -> memref<50x128xi32, #tpu.memory_space<hbm>>
    tpu.wait_dma2 semaphore(%arg13 : memref<!tpu.dma_semaphore, #tpu.memory_space<semaphore_mem>>) src(%dma_wait3A_61 : memref<50x128xi32, #tpu.memory_space<hbm>>) dst(%arg6 : memref<50x128xi32, #tpu.memory_space<vmem>>)
    %parallel_loop3A_62 = arith.constant 0 : i32
    %parallel_loop3A_63 = arith.constant 400 : i32
    %parallel_loop3A_64 = arith.constant 1 : i32
    scf.for %parallel_loop3A_94 = %parallel_loop3A_62 to %parallel_loop3A_63 step %parallel_loop3A_64  : i32 {
      %parallel_loop3A_95 = arith.constant 3 : i32
      %parallel_loop3A_96 = arith.shrui %parallel_loop3A_94, %parallel_loop3A_95 : i32
      %parallel_loop3A_97 = arith.constant 7 : i32
      %parallel_loop3A_98 = arith.andi %parallel_loop3A_94, %parallel_loop3A_97 : i32
      %parallel_loop3A_99 = arith.constant 16 : i32
      %parallel_loop3A_100 = arith.muli %parallel_loop3A_98, %parallel_loop3A_99 : i32
      %parallel_loop3A_101 = arith.index_cast %parallel_loop3A_96 : i32 to index
      %parallel_loop3A_102 = arith.index_cast %parallel_loop3A_100 : i32 to index
      %parallel_loop3A_103 = tpu.vector_load %arg6[%parallel_loop3A_101, %parallel_loop3A_102] {strides = array<i32>} : memref<50x128xi32, #tpu.memory_space<vmem>>, vector<16xi32>,
      %parallel_loop3A_104 = arith.constant 63 : i32
      %parallel_loop3A_105 = vector.broadcast %parallel_loop3A_104 : i32 to vector<16xi32>
      %parallel_loop3A_106 = arith.andi %parallel_loop3A_103, %parallel_loop3A_105 : vector<16xi32>
      %parallel_loop3A_107 = tpu.vector_load_idx %arg11[%parallel_loop3A_106] : memref<64xf32, #tpu.memory_space<vmem>>[vector<16xi32>], vector<16xf32>,
      %parallel_loop3A_108 = arith.constant 512 : i32
      %parallel_loop3A_109 = arith.muli %parallel_loop3A_96, %parallel_loop3A_108 : i32
      %parallel_loop3A_110 = arith.constant 128 : i32
      %parallel_loop3A_111 = arith.addi %parallel_loop3A_109, %parallel_loop3A_110 : i32
      %parallel_loop3A_112 = arith.addi %parallel_loop3A_111, %parallel_loop3A_100 : i32
      %parallel_loop3A_113 = arith.index_cast %parallel_loop3A_112 : i32 to index
      %parallel_loop3A_114 = tpu.vector_load %arg9[%parallel_loop3A_113] {strides = array<i32>} : memref<25600xf32, #tpu.memory_space<vmem>>, vector<16xf32>,
      tpu.vector_store %arg9[%parallel_loop3A_113], %parallel_loop3A_107 {strides = array<i32>} : memref<25600xf32, #tpu.memory_space<vmem>>, vector<16xf32>,
    } {sc.loop_unroll_factor = 8 : i64, sc.parallel_access}
    %scan3A = arith.constant 0 : i32
    %scan3A_65 = arith.constant 0 : i32
    %scan3A_66 = arith.constant 50 : i32
    %scan3A_67 = arith.addi %scan3A_65, %scan3A_66 : i32
    %scan3A_68 = arith.constant 1 : i32
    scf.for %scan3A_94 = %scan3A_65 to %scan3A_67 step %scan3A_68  : i32 {
      %mul3A_95 = arith.constant 512 : i32
      %mul3A_96 = arith.muli %scan3A_94, %mul3A_95 : i32
      %add3A_97 = arith.constant 0 : i32
      %add3A_98 = arith.addi %mul3A_96, %add3A_97 : i32
      %mul3A_99 = arith.constant 16384 : i32
      %mul3A_100 = arith.muli %scan3A_94, %mul3A_99 : i32
      %add3A_101 = arith.addi %mul3A_100, %mul3A_2 : i32
      %add3A_102 = arith.constant 0 : i32
      %add3A_103 = arith.addi %add3A_101, %add3A_102 : i32
      %dma_start3A_104 = tpu.memref_slice %arg9[%add3A_98] : memref<25600xf32, #tpu.memory_space<vmem>> -> memref<256xf32, #tpu.memory_space<vmem>>
      %dma_start3A_105 = tpu.memref_slice %arg4[%add3A_103] : memref<819200xf32, #tpu.memory_space<hbm>> -> memref<256xf32, #tpu.memory_space<hbm>>
      %dma_start3A_106 = tpu.memref_slice %arg4[%add3A_103] : memref<819200xf32, #tpu.memory_space<hbm>> -> memref<256xf32, #tpu.memory_space<hbm>>
      %dma_start3A_107 = tpu.memref_slice %arg9[%add3A_98] : memref<25600xf32, #tpu.memory_space<vmem>> -> memref<256xf32, #tpu.memory_space<vmem>>
      tpu.enqueue_dma source(%dma_start3A_107 : memref<256xf32, #tpu.memory_space<vmem>>) target(%dma_start3A_106 : memref<256xf32, #tpu.memory_space<hbm>>) target_semaphore(%arg16 : memref<!tpu.dma_semaphore, #tpu.memory_space<semaphore_mem>>)
    }
    %scan3A_69 = arith.constant 50 : i32
    %dma_wait3A_70 = arith.constant 0 : i32
    %dma_wait3A_71 = tpu.memref_slice %arg2[%dma_wait3A_70, %add3A_15] : memref<50x16384xi32, #tpu.memory_space<hbm>> -> memref<50x128xi32, #tpu.memory_space<hbm>>
    %dma_wait3A_72 = arith.constant 0 : i32
    %dma_wait3A_73 = tpu.memref_slice %arg2[%dma_wait3A_72, %add3A_15] : memref<50x16384xi32, #tpu.memory_space<hbm>> -> memref<50x128xi32, #tpu.memory_space<hbm>>
    tpu.wait_dma2 semaphore(%arg14 : memref<!tpu.dma_semaphore, #tpu.memory_space<semaphore_mem>>) src(%dma_wait3A_73 : memref<50x128xi32, #tpu.memory_space<hbm>>) dst(%arg7 : memref<50x128xi32, #tpu.memory_space<vmem>>)
    %parallel_loop3A_74 = arith.constant 0 : i32
    %parallel_loop3A_75 = arith.constant 400 : i32
    %parallel_loop3A_76 = arith.constant 1 : i32
    scf.for %parallel_loop3A_94 = %parallel_loop3A_74 to %parallel_loop3A_75 step %parallel_loop3A_76  : i32 {
      %parallel_loop3A_95 = arith.constant 3 : i32
      %parallel_loop3A_96 = arith.shrui %parallel_loop3A_94, %parallel_loop3A_95 : i32
      %parallel_loop3A_97 = arith.constant 7 : i32
      %parallel_loop3A_98 = arith.andi %parallel_loop3A_94, %parallel_loop3A_97 : i32
      %parallel_loop3A_99 = arith.constant 16 : i32
      %parallel_loop3A_100 = arith.muli %parallel_loop3A_98, %parallel_loop3A_99 : i32
      %parallel_loop3A_101 = arith.index_cast %parallel_loop3A_96 : i32 to index
      %parallel_loop3A_102 = arith.index_cast %parallel_loop3A_100 : i32 to index
      %parallel_loop3A_103 = tpu.vector_load %arg7[%parallel_loop3A_101, %parallel_loop3A_102] {strides = array<i32>} : memref<50x128xi32, #tpu.memory_space<vmem>>, vector<16xi32>,
      %parallel_loop3A_104 = arith.constant 63 : i32
      %parallel_loop3A_105 = vector.broadcast %parallel_loop3A_104 : i32 to vector<16xi32>
      %parallel_loop3A_106 = arith.andi %parallel_loop3A_103, %parallel_loop3A_105 : vector<16xi32>
      %parallel_loop3A_107 = tpu.vector_load_idx %arg11[%parallel_loop3A_106] : memref<64xf32, #tpu.memory_space<vmem>>[vector<16xi32>], vector<16xf32>,
      %parallel_loop3A_108 = arith.constant 512 : i32
      %parallel_loop3A_109 = arith.muli %parallel_loop3A_96, %parallel_loop3A_108 : i32
      %parallel_loop3A_110 = arith.constant 256 : i32
      %parallel_loop3A_111 = arith.addi %parallel_loop3A_109, %parallel_loop3A_110 : i32
      %parallel_loop3A_112 = arith.addi %parallel_loop3A_111, %parallel_loop3A_100 : i32
      %parallel_loop3A_113 = arith.index_cast %parallel_loop3A_112 : i32 to index
      %parallel_loop3A_114 = tpu.vector_load %arg9[%parallel_loop3A_113] {strides = array<i32>} : memref<25600xf32, #tpu.memory_space<vmem>>, vector<16xf32>,
      tpu.vector_store %arg9[%parallel_loop3A_113], %parallel_loop3A_107 {strides = array<i32>} : memref<25600xf32, #tpu.memory_space<vmem>>, vector<16xf32>,
    } {sc.loop_unroll_factor = 8 : i64, sc.parallel_access}
    %dma_wait3A_77 = arith.constant 0 : i32
    %dma_wait3A_78 = tpu.memref_slice %arg2[%dma_wait3A_77, %add3A_21] : memref<50x16384xi32, #tpu.memory_space<hbm>> -> memref<50x128xi32, #tpu.memory_space<hbm>>
    %dma_wait3A_79 = arith.constant 0 : i32
    %dma_wait3A_80 = tpu.memref_slice %arg2[%dma_wait3A_79, %add3A_21] : memref<50x16384xi32, #tpu.memory_space<hbm>> -> memref<50x128xi32, #tpu.memory_space<hbm>>
    tpu.wait_dma2 semaphore(%arg15 : memref<!tpu.dma_semaphore, #tpu.memory_space<semaphore_mem>>) src(%dma_wait3A_80 : memref<50x128xi32, #tpu.memory_space<hbm>>) dst(%arg8 : memref<50x128xi32, #tpu.memory_space<vmem>>)
    %parallel_loop3A_81 = arith.constant 0 : i32
    %parallel_loop3A_82 = arith.constant 400 : i32
    %parallel_loop3A_83 = arith.constant 1 : i32
    scf.for %parallel_loop3A_94 = %parallel_loop3A_81 to %parallel_loop3A_82 step %parallel_loop3A_83  : i32 {
      %parallel_loop3A_95 = arith.constant 3 : i32
      %parallel_loop3A_96 = arith.shrui %parallel_loop3A_94, %parallel_loop3A_95 : i32
      %parallel_loop3A_97 = arith.constant 7 : i32
      %parallel_loop3A_98 = arith.andi %parallel_loop3A_94, %parallel_loop3A_97 : i32
      %parallel_loop3A_99 = arith.constant 16 : i32
      %parallel_loop3A_100 = arith.muli %parallel_loop3A_98, %parallel_loop3A_99 : i32
      %parallel_loop3A_101 = arith.index_cast %parallel_loop3A_96 : i32 to index
      %parallel_loop3A_102 = arith.index_cast %parallel_loop3A_100 : i32 to index
      %parallel_loop3A_103 = tpu.vector_load %arg8[%parallel_loop3A_101, %parallel_loop3A_102] {strides = array<i32>} : memref<50x128xi32, #tpu.memory_space<vmem>>, vector<16xi32>,
      %parallel_loop3A_104 = arith.constant 63 : i32
      %parallel_loop3A_105 = vector.broadcast %parallel_loop3A_104 : i32 to vector<16xi32>
      %parallel_loop3A_106 = arith.andi %parallel_loop3A_103, %parallel_loop3A_105 : vector<16xi32>
      %parallel_loop3A_107 = tpu.vector_load_idx %arg11[%parallel_loop3A_106] : memref<64xf32, #tpu.memory_space<vmem>>[vector<16xi32>], vector<16xf32>,
      %parallel_loop3A_108 = arith.constant 512 : i32
      %parallel_loop3A_109 = arith.muli %parallel_loop3A_96, %parallel_loop3A_108 : i32
      %parallel_loop3A_110 = arith.constant 384 : i32
      %parallel_loop3A_111 = arith.addi %parallel_loop3A_109, %parallel_loop3A_110 : i32
      %parallel_loop3A_112 = arith.addi %parallel_loop3A_111, %parallel_loop3A_100 : i32
      %parallel_loop3A_113 = arith.index_cast %parallel_loop3A_112 : i32 to index
      %parallel_loop3A_114 = tpu.vector_load %arg9[%parallel_loop3A_113] {strides = array<i32>} : memref<25600xf32, #tpu.memory_space<vmem>>, vector<16xf32>,
      tpu.vector_store %arg9[%parallel_loop3A_113], %parallel_loop3A_107 {strides = array<i32>} : memref<25600xf32, #tpu.memory_space<vmem>>, vector<16xf32>,
    } {sc.loop_unroll_factor = 8 : i64, sc.parallel_access}
    %scan3A_84 = arith.constant 0 : i32
    %scan3A_85 = arith.constant 0 : i32
    %scan3A_86 = arith.constant 50 : i32
    %scan3A_87 = arith.addi %scan3A_85, %scan3A_86 : i32
    %scan3A_88 = arith.constant 1 : i32
    scf.for %scan3A_94 = %scan3A_85 to %scan3A_87 step %scan3A_88  : i32 {
      %mul3A_95 = arith.constant 512 : i32
      %mul3A_96 = arith.muli %scan3A_94, %mul3A_95 : i32
      %add3A_97 = arith.constant 256 : i32
      %add3A_98 = arith.addi %mul3A_96, %add3A_97 : i32
      %mul3A_99 = arith.constant 16384 : i32
      %mul3A_100 = arith.muli %scan3A_94, %mul3A_99 : i32
      %add3A_101 = arith.addi %mul3A_100, %mul3A_2 : i32
      %add3A_102 = arith.constant 256 : i32
      %add3A_103 = arith.addi %add3A_101, %add3A_102 : i32
      %dma_start3A_104 = tpu.memref_slice %arg9[%add3A_98] : memref<25600xf32, #tpu.memory_space<vmem>> -> memref<256xf32, #tpu.memory_space<vmem>>
      %dma_start3A_105 = tpu.memref_slice %arg4[%add3A_103] : memref<819200xf32, #tpu.memory_space<hbm>> -> memref<256xf32, #tpu.memory_space<hbm>>
      %dma_start3A_106 = tpu.memref_slice %arg4[%add3A_103] : memref<819200xf32, #tpu.memory_space<hbm>> -> memref<256xf32, #tpu.memory_space<hbm>>
      %dma_start3A_107 = tpu.memref_slice %arg9[%add3A_98] : memref<25600xf32, #tpu.memory_space<vmem>> -> memref<256xf32, #tpu.memory_space<vmem>>
      tpu.enqueue_dma source(%dma_start3A_107 : memref<256xf32, #tpu.memory_space<vmem>>) target(%dma_start3A_106 : memref<256xf32, #tpu.memory_space<hbm>>) target_semaphore(%arg16 : memref<!tpu.dma_semaphore, #tpu.memory_space<semaphore_mem>>)
    }
    %scan3A_89 = arith.constant 50 : i32
    %dma_wait3A_90 = arith.constant 0 : i32
    %dma_wait3A_91 = tpu.memref_slice %arg4[%dma_wait3A_90] : memref<819200xf32, #tpu.memory_space<hbm>> -> memref<25600xf32, #tpu.memory_space<hbm>>
    %dma_wait3A_92 = arith.constant 0 : i32
    %dma_wait3A_93 = tpu.memref_slice %arg4[%dma_wait3A_92] : memref<819200xf32, #tpu.memory_space<hbm>> -> memref<25600xf32, #tpu.memory_space<hbm>>
    tpu.wait_dma2 semaphore(%arg16 : memref<!tpu.dma_semaphore, #tpu.memory_space<semaphore_mem>>) src(%dma_wait3A_93 : memref<25600xf32, #tpu.memory_space<hbm>>) dst(%arg9 : memref<25600xf32, #tpu.memory_space<vmem>>)
    return
  }
}

</mosaic_0001>

<sc_bundles>
// kernel: kernel.3.cloned.1.call-start
scs
__scs_entry_jumppad:
0x0: {  	(pc) =	sbr.rel $0x88, $3  }
0x1: {  	(tag) =	ssettag $0x0;
	lr =	simm.s32 $0x1  }
0x2: {  	[smem:$0x3F9F] =	sst lr;
	_ =	strace $0xD0000000  }
0x3: {  	_ = 	snop  }
0x4: {  	_ = 	snop  }
0x5: {  	_ = 	snop  }
0x6: {  	_ = 	snop  }
0x7: {  	_ = 	snop  }
__scs_overlays_trampoline_lowered:
0x8: {  	[smem:$0x3FAE] =	sst s0  }
0x9: {  	[smem:$0x3FAF] =	sst s1  }
0xa: {  	[smem:$0x3FB0] =	sst s2  }
0xb: {  	[smem:$0x3FB1] =	sst s3  }
0xc: {  	[smem:$0x3FB2] =	sst s4  }
0xd: {  	[smem:$0x3FB3] =	sst s5  }
0xe: {  	[smem:$0x3FB4] =	sst s6  }
0xf: {  	[smem:$0x3FB5] =	sst s7  }
0x10: {  	[smem:$0x3FB6] =	sst s8  }
0x11: {  	[smem:$0x3FB7] =	sst s9;
	s0 =	simm.s32 @!p0 $0x0  }
0x12: {  	s1 =	sld [smem:$0x3F9D];
	s0 =	simm.s32 @p0 $0x1  }
0x13: {  	[smem:$0x3FB8] =	sst s0;
	s0 =	simm.s32 @!p1 $0x0  }
0x14: {  	s2 =	sld [smem:$0x3F9C];
	s0 =	simm.s32 @p1 $0x1  }
0x15: {  	[smem:$0x3FB9] =	sst s0;
	s0 =	simm.s32 @!p2 $0x0  }
0x16: {  	s3 =	sld [smem:$0x3FDB];
	s0 =	simm.s32 @p2 $0x1  }
0x17: {  	s4 =	simm.s32 $0x1BF5;
	[smem:$0x3FBB] =	sst s0  }
0x18: {  	s0 =	sld [smem:$0x3F9E];
	_ =	swait.ge [sflag:s4], $0x0  }
0x19: {  	s7 =	sld [smem:$0x3F9F]  }
0x1a: {  	s8 =	sadd.s32 $0xFFFFE003, lr  }
0x1b: {  	s9 =	sadd.s32 $0xFFFFFEF7, lr;
	s5 =	simm.s32 $0xFFFFFFFF;
	p2 =	slt.u32 s8, $0xFFFFF086  }
0x1c: {  	p1 =	slt.u32 s9, $0xF7A;
	s5 =	simm.s32 @!p2 $0x0  }
0x1d: {  	s5 =	simm.s32 @p1 $0x1;
	p0 =	seq.s32 s7, s2  }
0x1e: {  	s7 =	smul.u32 @!p0 $0xF7A, s2;
	p2 =	seq.s32 @!p0 s5, $0x0  }
0x1f: {  	s9 =	smul.u32 $0xF7A, s1;
	s8 =	simm.s32 @!p0 $0x1BF5;
	p2 =	por !p2, p0  }
0x20: {  	[sflag:s8] =	ssyncset.s32 @!p0 $0xFFFFF086;
	s6 =	sadd.s32 @!p0 s3, s7;
	s7 =	simm.s32 @!p0 $0x108  }
0x21: {  	s3 =	sadd.s32 s3, s9;
	s6 =	sadd.s32 @!p0 $0x88, s6;
	s7 =	simm.s32 @p2 $0x1082  }
0x22: {  	[simem:s7], [sflag:s8] =	dma.local @!p0 [hbm:s6], $0xF7A  }
0x23: {  	s9 =	sor.u32 $0xD0000000, s2;
	s6 =	simm.s32 $0x108;
	_ =	swait.ge @!p0 [sflag:s8], $0x0  }
0x24: {  	s3 =	sadd.s32 $0x88, s3;
	s6 =	simm.s32 @!p1 $0x1082;
	[sflag:s4] =	ssyncset.s32 $0xFFFFF086  }
0x25: {  	[simem:s6], [sflag:s4] =	dma.local [hbm:s3], $0xF7A  }
0x26: {  	[smem:$0x3F9F] =	sst s1;
	(tag) =	ssettag s2;
	_ =	strace s9  }
0x27: {  	s1 =	sld [smem:$0x3FAF]  }
0x28: {  	s2 =	sld [smem:$0x3FB0]  }
0x29: {  	s4 =	sld [smem:$0x3FB2]  }
0x2a: {  	p0 =	seq.s32 s5, $0x0;
	s5 =	sld [smem:$0x3FB3]  }
0x2b: {  	s6 =	sld [smem:$0x3FB4]  }
0x2c: {  	s7 =	sld [smem:$0x3FB5]  }
0x2d: {  	s3 =	simm.s32 $0x108;
	s8 =	sld [smem:$0x3FB6]  }
0x2e: {  	s3 =	simm.s32 @!p0 $0x1082;
	s9 =	sld [smem:$0x3FB7]  }
0x2f: {  	lr =	sadd.s32 s0, s3;
	s0 =	sld [smem:$0x3FAE]  }
0x30: {  	s3 =	sld [smem:$0x3FB1]  }
0x31: {  	[smem:$0x3FBA] =	sst s10  }
0x32: {  	s10 =	sld [smem:$0x3FB8];
	_ =	sdelay $0x3  }
0x33: {  	p0 =	seq.s32 s10, $0x1;
	s10 =	sld [smem:$0x3FBA];
	_ =	sdelay $0x3  }
0x34: {  	[smem:$0x3FBA] =	sst s10  }
0x35: {  	s10 =	sld [smem:$0x3FB9];
	_ =	sdelay $0x3  }
0x36: {  	p1 =	seq.s32 s10, $0x1;
	s10 =	sld [smem:$0x3FBA];
	_ =	sdelay $0x3  }
0x37: {  	[smem:$0x3FBA] =	sst s10  }
0x38: {  	s10 =	sld [smem:$0x3FBB]  }
0x39: {  	_ = 	snop;
	(pc) =	sbr.ind lr, $3  }
0x3a: {  	_ = 	snop  }
0x3b: {  	_ = 	snop  }
0x3c: {  	p2 =	seq.s32 s10, $0x1;
	s10 =	sld [smem:$0x3FBA]  }
0x3d: {  	_ =	shalt  }
0x3e: {  	_ =	shalt  }
0x3f: {  	_ =	shalt  }
0x40: {  	_ =	shalt  }
0x41: {  	_ =	shalt  }
0x42: {  	_ =	shalt  }
0x43: {  	_ =	shalt  }
0x44: {  	_ =	shalt  }
0x45: {  	_ =	shalt  }
0x46: {  	_ =	shalt  }
0x47: {  	_ =	shalt  }
0x48: {  	_ =	shalt  }
0x49: {  	_ =	shalt  }
0x4a: {  	_ =	shalt  }
0x4b: {  	_ =	shalt  }
0x4c: {  	_ =	shalt  }
0x4d: {  	_ =	shalt  }
0x4e: {  	_ =	shalt  }
0x4f: {  	_ =	shalt  }
0x50: {  	_ =	shalt  }
0x51: {  	_ =	shalt  }
0x52: {  	_ =	shalt  }
0x53: {  	_ =	shalt  }
0x54: {  	_ =	shalt  }
0x55: {  	_ =	shalt  }
0x56: {  	_ =	shalt  }
0x57: {  	_ =	shalt  }
0x58: {  	_ =	shalt  }
0x59: {  	_ =	shalt  }
0x5a: {  	_ =	shalt  }
0x5b: {  	_ =	shalt  }
0x5c: {  	_ =	shalt  }
0x5d: {  	_ =	shalt  }
0x5e: {  	_ =	shalt  }
0x5f: {  	_ =	shalt  }
0x60: {  	_ =	shalt  }
0x61: {  	_ =	shalt  }
0x62: {  	_ =	shalt  }
0x63: {  	_ =	shalt  }
0x64: {  	_ =	shalt  }
0x65: {  	_ =	shalt  }
0x66: {  	_ =	shalt  }
0x67: {  	_ =	shalt  }
0x68: {  	_ =	shalt  }
0x69: {  	_ =	shalt  }
0x6a: {  	_ =	shalt  }
0x6b: {  	_ =	shalt  }
0x6c: {  	_ =	shalt  }
0x6d: {  	_ =	shalt  }
0x6e: {  	_ =	shalt  }
0x6f: {  	_ =	shalt  }
0x70: {  	_ =	shalt  }
0x71: {  	_ =	shalt  }
0x72: {  	_ =	shalt  }
0x73: {  	_ =	shalt  }
0x74: {  	_ =	shalt  }
0x75: {  	_ =	shalt  }
0x76: {  	_ =	shalt  }
0x77: {  	_ =	shalt  }
0x78: {  	_ =	shalt  }
0x79: {  	_ =	shalt  }
0x7a: {  	_ =	shalt  }
0x7b: {  	_ =	shalt  }
0x7c: {  	_ =	shalt  }
0x7d: {  	_ =	shalt  }
0x7e: {  	_ =	shalt  }
0x7f: {  	_ =	shalt  }
0x80: {  	_ =	shalt  }
0x81: {  	_ =	shalt  }
0x82: {  	_ =	shalt  }
0x83: {  	_ =	shalt  }
0x84: {  	_ =	shalt  }
0x85: {  	_ =	shalt  }
0x86: {  	_ =	shalt  }
0x87: {  	_ =	shalt  }
.Lfunc_end0:
.L_simem_size_0:
called_computation_lowered:
.L_overlay_start_0:
0x88: {  	s2 =	sld [smem:$0x3FD9]  }
0x89: {  	s3 =	sld [smem:$0x3FFE];
	_ =	sdelay $0x1  }
0x8a: {  	s1 =	srdreg.scid  }
0x8b: {  	s0 =	sand.u32 $0x1, s1  }
0x8c: {  	s18 =	sshll.u32 s0, $0xA;
	s2 =	sadd.s32 s3, s2  }
0x8d: {  	s2 =	sadd.s32 s2, s18  }
0x8e: {  	[smem:$0x3FC6] =	sst s2  }
0x8f: {  	_ = 	snop  }
0x90: {  	s2 =	sld [smem:$0x3FC9]  }
0x91: {  	s19 =	sld [smem:$0x3FC8]  }
0x92: {  	s4 =	sld [smem:$0x3FD0];
	(tm) =	ssettm $0x1  }
0x93: {  	s5 =	sld [smem:$0x3FFB];
	_ =	sdelay $0x3  }
0x94: {  	_ =	strace s5  }
0x95: {  	s5 =	sld [smem:$0x3FFC];
	_ =	sdelay $0x3  }
0x96: {  	_ =	strace s5  }
0x97: {  	s5 =	sld [smem:$0x3FFD];
	_ =	sdelay $0x3  }
0x98: {  	_ =	strace s5  }
0x99: {  	_ =	strace $0x8FFFFFFF  }
0x9a: {  	s20 =	sld [smem:$0x3FDB];
	_ =	sdelay $0x1  }
0x9b: {  	s6 =	simm.s32 $_scs_section_size  }
0x9c: {  	s7 =	simm.s32 $_size__tile_overlayer_lowered;
	s8 =	simm.s32 $_tile_overlayer_lowered  }
0x9d: {  	s23 =	simm.s32 $0x1BFF;
	s22 =	sshll.u32 s8, $0x1;
	s5 =	sadd.s32 s6, s20  }
0x9e: {  	s9 =	simm.s32 $0x0;
	s21 =	sshll.u32 s7, $0x1;
	s7 =	sadd.s32 s22, s5  }
0x9f: {  	[timem:s9], [sflag:s23] =	dma.local [hbm:s7], s21  }
0xa0: {  	_ =	swait.ge [sflag:s23], s21  }
0xa1: {  	s6 =	ssub.s32 $0x0, s21;
	[sflag:s23] =	ssyncset.done $0x0  }
0xa2: {  	[sflag:s23] =	ssyncadd.s32 s6;
	_ =	sdelay $0x1  }
0xa3: {  	s24 =	simm.s32 $0x1B8B  }
0xa4: {  	_ =	swait.ge [sflag:s24], $0x1  }
0xa5: {  	[sflag:s24] =	ssyncset.done $0x0  }
0xa6: {  	s25 =	simm.s32 $0x1B8E;
	[sflag:s24] =	ssyncadd.s32 $0xFFFFFFFF  }
0xa7: {  	s26 =	simm.s32 $execute0_lowered;
	[smem:$0x3FD2] =	sst s25  }
0xa8: {  	s6 =	sshll.u32 s26, $0x1;
	_ =	strace $0x80000046;
	[dreg:$0x1] =	wrdreg $0xFFFFFFFF  }
0xa9: {  	s28 =	simm.s32 $_size_execute0_lowered;
	s5 =	sadd.s32 s5, s6;
	[dreg:$0x0] =	wrdreg $0x0  }
0xaa: {  	s6 =	sshll.u32 s28, $0x1;
	[dreg:$0x2] =	wrdreg s5  }
0xab: {  	[dreg:$0x3] =	wrdreg s6  }
0xac: {  	[dreg:$0x4] =	wrdreg $0xC0  }
0xad: {  	_ =	task [dreg:s9], $0x5FFFF  }
0xae: {  	[dreg:$0x1] =	wrdreg $0xFFFFFFFF  }
0xaf: {  	[dreg:$0x0] =	wrdreg $0x60  }
0xb0: {  	[dreg:$0x2] =	wrdreg s2  }
0xb1: {  	[dreg:$0x3] =	wrdreg s19  }
0xb2: {  	[dreg:$0x4] =	wrdreg s4  }
0xb3: {  	[dreg:$0x5] =	wrdreg $0x9  }
0xb4: {  	_ =	task.clear_ibuf [dreg:s9], $0x6FFFF;
	_ =	strace $0x90000046  }
0xb5: {  	s29 =	simm.s32 $0x9;
	_ =	strace $0x80000048  }
0xb6: {  	_ =	swait.ge [sflag:s29], $0x1  }
0xb7: {  	[sflag:s29] =	ssyncadd.s32 $0xFFFFFFFF  }
0xb8: {  	_ =	strace $0x90000048  }
0xb9: {  	_ =	sfence  }
0xba: {  	s30 =	sld [smem:$0x0];
	_ =	sdelay $0x2  }
0xbb: {  	s31 =	sshll.u32 s1, $0xD;
	s1 =	sshrl.u32 s1, $0x2  }
0xbc: {  	s3 =	sand.u32 $0x4000, s31;
	s1 =	sadd.s32 s1, s30  }
0xbd: {  	s0 =	sor.u32 s3, s0;
	s1 =	sshll.u32 s1, $0x11  }
0xbe: {  	s0 =	sor.u32 s1, s0  }
0xbf: {  	s0 =	sadd.s32 $0x8F2B, s0  }
0xc0: {  	[sflag:s0] =	ssyncadd.remote.s32 $0x1  }
0xc1: {  	_ =	sfence.sel $0xFFFF  }
0xc2: {  	[dreg:$0x0] =	wrdreg $0xFFFFFFFF;
	(pc) =	sbr.abs _section_cstart, $3  }
0xc3: {  	[dreg:$0x1] =	wrdreg $0xFFFFFFFF  }
0xc4: {  	_ =	task.clear_ibuf [dreg:s9], $0x2FFFF;
	_ =	strace $0x9FFFFFFF  }
0xc5: {  	(tm) =	ssettm $0x7FFFFFFF  }
tec
execute0_lowered:
.L_overlay_start_1:
0x0: {  	(tag) =	ssettag $0x1  }
0x1: {  	s0 =	rddreg [dreg:$0x0]  }
0x2: {  	s1 =	rddreg [dreg:$0x2];
	s2 =	srdreg.scid  }
0x3: {  	s4 =	stileid.u32;
	s3 =	simm.s32 $0x0;
	s15 =	simm.s32 $0x400  }
0x4: {  	s16 =	simm.s32 $0x20000;
	s19 =	simm.s32 $0x3400;
	s20 =	simm.s32 $0x3800  }
0x5: {  	s21 =	simm.s32 $0x5000;
	s22 =	simm.s32 $0x5400;
	s23 =	simm.s32 $0x6C00  }
0x6: {  	s28 =	simm.s32 $0x1;
	s29 =	simm.s32 $0x2;
	s30 =	simm.s32 $0x3  }
0x7: {  	s31 =	simm.s32 $0x4;
	s2 =	sand.u32 $0x1, s2;
	s4 =	sshll.u32 s4, $0xA  }
0x8: {  	[smem:$0x7FF] =	sst s3;
	s5 =	sshll.u32 s2, $0x9;
	s2 =	ssub.s32 $0x2, s2  }
0x9: {  	_ =	strace $0x80000047;
	s9 =	sor.u32 s5, s4;
	s24 =	sshrl.u32 s2, $0x1  }
0xa: {  	s4 =	sadd.s32 s0, s9;
	s25 =	ssub.s32 s2, s24;
	s26 =	sshrl.u32 s9, $0x3  }
0xb: {  	s24 =	simm.s32 $0xD400;
	s0 =	simm.s32 $0x5;
	s5 =	sadd.s32 $0x18000, s4  }
0xc: {  	s6 =	sadd.s32 $0x80, s4;
	s7 =	sadd.s32 $0x18080, s4;
	s8 =	sadd.s32 $0x100, s4  }
0xd: {  	v4 =	vlaneseq.u32;
	s9 =	sadd.s32 $0x18100, s4;
	s10 =	sadd.s32 $0x180, s4;
	s11 =	sadd.s32 s26, s1  }
0xe: {  	v0 =	vimm.f32 $0.0e+00;
	v1 =	vadd.s32 $0x1, v4;
	s12 =	sadd.s32 $0x18180, s4;
	s13 =	smax.u32 s25, $0x1;
	s25 =	simm.s32 $0x6  }
0xf: {  	v2 =	vadd.s32 $0x11, v4;
	v3 =	vadd.s32 $0x21, v4;
	v4 =	vadd.s32 $0x23, v4;
	s26 =	simm.s32 $0xD480;
	s1 =	simm.s32 $0x0;
	s14 =	sadd.s32 $0x20, s11  }
.LBB2_1:
0x10: {  	[tilespmem:s3], [sflag:$0x1] =	stream.strided.gather [hbm4b:s4+s15], $0x1800, s16, s15, $0x38;
	[tilespmem:$0xD500] =	vst v63  }
0x11: {  	s2 =	simm.s32 $0x1800  }
0x12: {  	[tilespmem:s2], [sflag:$0x1] =	stream.linear.gather [hbm4b:s5+s3], $0x100, $0x38;
	[tilespmem:$0xD500] =	vst v63  }
0x13: {  	s18 =	simm.s32 $0x1C00  }
0x14: {  	[tilespmem:s18], [sflag:$0x2] =	stream.strided.gather [hbm4b:s6+s15], $0x1800, s16, s15, $0x38;
	[tilespmem:$0xD500] =	vst v63  }
0x15: {  	_ = 	snop  }
0x16: {  	[tilespmem:s19], [sflag:$0x2] =	stream.linear.gather [hbm4b:s7+s3], $0x100, $0x38;
	[tilespmem:$0xD500] =	vst v63  }
0x17: {  	_ = 	snop  }
0x18: {  	[tilespmem:s20], [sflag:$0x3] =	stream.strided.gather [hbm4b:s8+s15], $0x1800, s16, s15, $0x38;
	[tilespmem:$0xD500] =	vst v63  }
0x19: {  	_ = 	snop  }
0x1a: {  	[tilespmem:s21], [sflag:$0x3] =	stream.linear.gather [hbm4b:s9+s3], $0x100, $0x38;
	[tilespmem:$0xD500] =	vst v63  }
0x1b: {  	_ = 	snop  }
0x1c: {  	[tilespmem:s22], [sflag:$0x4] =	stream.strided.gather [hbm4b:s10+s15], $0x1800, s16, s15, $0x38;
	[tilespmem:$0xD500] =	vst v63  }
0x1d: {  	_ = 	snop  }
0x1e: {  	[tilespmem:s23], [sflag:$0x4] =	stream.linear.gather [hbm4b:s12+s3], $0x100, $0x38;
	[tilespmem:$0xD500] =	vst v63  }
0x1f: {  	s17 =	rddreg [dreg:$0x1]  }
0x20: {  	[tilespmem:s24], [sflag:$0x6] =	stream.linear.gather [hbm4b:s17+s3], $0x80, $0x38;
	[tilespmem:$0xD500] =	vst v63  }
0x21: {  	_ =	swait.ge [sflag:s25], $0x80  }
0x22: {  	[sflag:s25] =	ssyncset.done $0x0  }
0x23: {  	[sflag:s25] =	ssyncadd.s32 $0xFFFFFF80  }
0x24: {  	v5 =	vld [tilespmem:$0xD400]  }
0x25: {  	[tilespmem:$0xD480] =	vst v0  }
0x26: {  	[tilespmem:$0xD490] =	vst v0  }
0x27: {  	[tilespmem:$0xD4A0] =	vst v0  }
0x28: {  	[tilespmem:$0xD4B0] =	vst v0  }
0x29: {  	[tilespmem:v1+s26+$0x0] =	vst.idx.msk $0xffff, v5  }
0x2a: {  	v5 =	vld [tilespmem:$0xD410];
	_ =	sdelay $0x4  }
0x2b: {  	[tilespmem:v2+s26+$0x0] =	vst.idx.msk $0xffff, v5  }
0x2c: {  	v5 =	vld [tilespmem:$0xD420];
	_ =	sdelay $0x4  }
0x2d: {  	[tilespmem:v3+s26+$0x0] =	vst.idx.msk $0xffff, v5  }
0x2e: {  	v5 =	vld [tilespmem:$0xD422];
	_ =	sdelay $0x4  }
0x2f: {  	[tilespmem:v4+s26+$0x0] =	vst.idx.msk $0xffff, v5  }
0x30: {  	_ =	swait.ge [sflag:s28], $0x1900  }
0x31: {  	[sflag:s28] =	ssyncset.done $0x0  }
0x32: {  	s18 =	simm.s32 $0x40;
	[sflag:s28] =	ssyncadd.s32 $0xFFFFE700  }
0x33: {  	v5 =	vld [tilespmem:s18+$0x30]  }
0x34: {  	v6 =	vld [tilespmem:s18+$0xFFFFFFD0]  }
0x35: {  	v7 =	vld [tilespmem:s18+$0xFFFFFFE0]  }
0x36: {  	v8 =	vld [tilespmem:s18+$0xFFFFFFF0]  }
0x37: {  	v9 =	vld [tilespmem:s18+$0x0]  }
0x38: {  	v10 =	vld [tilespmem:s18+$0x10];
	v5 =	vand.u32 $0x3F, v5  }
0x39: {  	v6 =	vand.u32 $0x3F, v6  }
0x3a: {  	v7 =	vand.u32 $0x3F, v7  }
0x3b: {  	v11 =	vld [tilespmem:s18+$0x20];
	v8 =	vand.u32 $0x3F, v8  }
0x3c: {  	v13 =	vld [tilespmem:s18+$0xFFFFFFC0];
	v14 =	vand.u32 $0x3F, v9  }
0x3d: {  	v15 =	vand.u32 $0x3F, v10;
	v12 =	vld.idx.msk [tilespmem:v5+s26+$0x0], $0xffff  }
0x3e: {  	v9 =	vld.idx.msk [tilespmem:v6+s26+$0x0], $0xffff  }
0x3f: {  	v10 =	vld.idx.msk [tilespmem:v7+s26+$0x0], $0xffff  }
0x40: {  	v8 =	vld.idx.msk [tilespmem:v8+s26+$0x0], $0xffff  }
0x41: {  	v7 =	vld.idx.msk [tilespmem:v14+s26+$0x0], $0xffff  }
0x42: {  	s2 =	simm.s32 $0x7040;
	s17 =	simm.s32 $0x0;
	s18 =	simm.s32 $0xC0;
	v5 =	vand.u32 $0x3F, v11;
	v6 =	vand.u32 $0x3F, v13;
	v11 =	vld.idx.msk [tilespmem:v15+s26+$0x0], $0xffff  }
.LBB2_2:
0x43: {  	v13 =	vld [tilespmem:s18+$0x30];
	s17 =	sadd.s32 $0x8, s17;
	[tilespmem:s2+$0x30] =	vst v12  }
0x44: {  	v12 =	vld [tilespmem:s18+$0xFFFFFFD0];
	p0 =	slt.u32 s17, $0x188;
	[tilespmem:s2+$0xFFFFFFD0] =	vst v9  }
0x45: {  	v9 =	vld [tilespmem:s18+$0xFFFFFFE0];
	[tilespmem:s2+$0xFFFFFFE0] =	vst v10  }
0x46: {  	v10 =	vld [tilespmem:s18+$0xFFFFFFF0];
	[tilespmem:s2+$0xFFFFFFF0] =	vst v8  }
0x47: {  	v8 =	vld [tilespmem:s18+$0x0];
	[tilespmem:s2+$0x0] =	vst v7  }
0x48: {  	v7 =	vld [tilespmem:s18+$0x10];
	v13 =	vand.u32 $0x3F, v13;
	[tilespmem:s2+$0x10] =	vst v11  }
0x49: {  	v11 =	vand.u32 $0x3F, v12;
	v14 =	vld [tilespmem:s18+$0x20]  }
0x4a: {  	v15 =	vld [tilespmem:s18+$0xFFFFFFC0];
	v16 =	vand.u32 $0x3F, v9  }
0x4b: {  	v17 =	vand.u32 $0x3F, v10;
	v18 =	vld.idx.msk [tilespmem:v6+s26+$0x0], $0xffff  }
0x4c: {  	v19 =	vand.u32 $0x3F, v8;
	v20 =	vld.idx.msk [tilespmem:v5+s26+$0x0], $0xffff  }
0x4d: {  	v21 =	vand.u32 $0x3F, v7;
	v12 =	vld.idx.msk [tilespmem:v13+s26+$0x0], $0xffff  }
.Ltmp0:
0x4e: {  	v9 =	vld.idx.msk [tilespmem:v11+s26+$0x0], $0xffff;
	v5 =	vand.u32 $0x3F, v14;
	(pc) =	sbr.rel @p0 .LBB2_2-.Ltmp0, $4  }
0x4f: {  	v6 =	vand.u32 $0x3F, v15;
	v10 =	vld.idx.msk [tilespmem:v16+s26+$0x0], $0xffff  }
0x50: {  	v8 =	vld.idx.msk [tilespmem:v17+s26+$0x0], $0xffff  }
0x51: {  	v7 =	vld.idx.msk [tilespmem:v19+s26+$0x0], $0xffff;
	[tilespmem:s2+$0xFFFFFFC0] =	vst v18  }
0x52: {  	s18 =	sadd.s32 $0x80, s18;
	v11 =	vld.idx.msk [tilespmem:v21+s26+$0x0], $0xffff;
	[tilespmem:s2+$0x20] =	vst v20;
	s2 =	sadd.s32 $0x200, s2  }
0x53: {  	_ =	sdelay $0x2  }
0x54: {  	[tilespmem:s2+$0x30] =	vst v12  }
0x55: {  	[tilespmem:s2+$0xFFFFFFD0] =	vst v9;
	v6 =	vld.idx.msk [tilespmem:v6+s26+$0x0], $0xffff  }
0x56: {  	v5 =	vld.idx.msk [tilespmem:v5+s26+$0x0], $0xffff;
	[tilespmem:s2+$0xFFFFFFE0] =	vst v10  }
0x57: {  	[tilespmem:s2+$0xFFFFFFF0] =	vst v8  }
0x58: {  	[tilespmem:s2+$0x0] =	vst v7  }
0x59: {  	[tilespmem:s2+$0x10] =	vst v11  }
0x5a: {  	[tilespmem:s2+$0xFFFFFFC0] =	vst v6  }
0x5b: {  	[tilespmem:s2+$0x20] =	vst v5  }
0x5c: {  	_ =	swait.ge [sflag:s29], $0x1900  }
0x5d: {  	[sflag:s29] =	ssyncset.done $0x0  }
0x5e: {  	s18 =	simm.s32 $0x1C40;
	[sflag:s29] =	ssyncadd.s32 $0xFFFFE700  }
0x5f: {  	v5 =	vld [tilespmem:s18+$0x30]  }
0x60: {  	v6 =	vld [tilespmem:s18+$0xFFFFFFD0]  }
0x61: {  	v7 =	vld [tilespmem:s18+$0xFFFFFFE0]  }
0x62: {  	v8 =	vld [tilespmem:s18+$0xFFFFFFF0]  }
0x63: {  	v9 =	vld [tilespmem:s18+$0x0]  }
0x64: {  	v10 =	vld [tilespmem:s18+$0x10];
	v5 =	vand.u32 $0x3F, v5  }
0x65: {  	v6 =	vand.u32 $0x3F, v6  }
0x66: {  	v7 =	vand.u32 $0x3F, v7  }
0x67: {  	v11 =	vld [tilespmem:s18+$0x20];
	v8 =	vand.u32 $0x3F, v8  }
0x68: {  	v13 =	vld [tilespmem:s18+$0xFFFFFFC0];
	v14 =	vand.u32 $0x3F, v9  }
0x69: {  	v15 =	vand.u32 $0x3F, v10;
	v12 =	vld.idx.msk [tilespmem:v5+s26+$0x0], $0xffff  }
0x6a: {  	v9 =	vld.idx.msk [tilespmem:v6+s26+$0x0], $0xffff  }
0x6b: {  	v10 =	vld.idx.msk [tilespmem:v7+s26+$0x0], $0xffff  }
0x6c: {  	v8 =	vld.idx.msk [tilespmem:v8+s26+$0x0], $0xffff  }
0x6d: {  	v7 =	vld.idx.msk [tilespmem:v14+s26+$0x0], $0xffff  }
0x6e: {  	s17 =	simm.s32 $0x0;
	s2 =	simm.s32 $0x70F0;
	s18 =	simm.s32 $0x1CC0;
	v5 =	vand.u32 $0x3F, v11;
	v6 =	vand.u32 $0x3F, v13;
	v11 =	vld.idx.msk [tilespmem:v15+s26+$0x0], $0xffff  }
.LBB2_4:
0x6f: {  	v13 =	vld [tilespmem:s18+$0x30];
	s17 =	sadd.s32 $0x8, s17;
	[tilespmem:s2+$0x0] =	vst v12  }
0x70: {  	v12 =	vld [tilespmem:s18+$0xFFFFFFD0];
	p0 =	slt.u32 s17, $0x188;
	[tilespmem:s2+$0xFFFFFFA0] =	vst v9  }
0x71: {  	v9 =	vld [tilespmem:s18+$0xFFFFFFE0];
	[tilespmem:s2+$0xFFFFFFB0] =	vst v10  }
0x72: {  	v10 =	vld [tilespmem:s18+$0xFFFFFFF0];
	[tilespmem:s2+$0xFFFFFFC0] =	vst v8  }
0x73: {  	v8 =	vld [tilespmem:s18+$0x0];
	[tilespmem:s2+$0xFFFFFFD0] =	vst v7  }
0x74: {  	v7 =	vld [tilespmem:s18+$0x10];
	v13 =	vand.u32 $0x3F, v13;
	[tilespmem:s2+$0xFFFFFFE0] =	vst v11  }
0x75: {  	v11 =	vand.u32 $0x3F, v12;
	v14 =	vld [tilespmem:s18+$0x20]  }
0x76: {  	v15 =	vld [tilespmem:s18+$0xFFFFFFC0];
	v16 =	vand.u32 $0x3F, v9  }
0x77: {  	v17 =	vand.u32 $0x3F, v10;
	v18 =	vld.idx.msk [tilespmem:v6+s26+$0x0], $0xffff  }
0x78: {  	v19 =	vand.u32 $0x3F, v8;
	v20 =	vld.idx.msk [tilespmem:v5+s26+$0x0], $0xffff  }
0x79: {  	v21 =	vand.u32 $0x3F, v7;
	v12 =	vld.idx.msk [tilespmem:v13+s26+$0x0], $0xffff  }
.Ltmp1:
0x7a: {  	v9 =	vld.idx.msk [tilespmem:v11+s26+$0x0], $0xffff;
	v5 =	vand.u32 $0x3F, v14;
	(pc) =	sbr.rel @p0 .LBB2_4-.Ltmp1, $4  }
0x7b: {  	v6 =	vand.u32 $0x3F, v15;
	v10 =	vld.idx.msk [tilespmem:v16+s26+$0x0], $0xffff  }
0x7c: {  	v8 =	vld.idx.msk [tilespmem:v17+s26+$0x0], $0xffff  }
0x7d: {  	v7 =	vld.idx.msk [tilespmem:v19+s26+$0x0], $0xffff;
	[tilespmem:s2+$0xFFFFFF90] =	vst v18  }
0x7e: {  	s18 =	sadd.s32 $0x80, s18;
	v11 =	vld.idx.msk [tilespmem:v21+s26+$0x0], $0xffff;
	[tilespmem:s2+$0xFFFFFFF0] =	vst v20;
	s2 =	sadd.s32 $0x200, s2  }
0x7f: {  	_ =	sdelay $0x2  }
0x80: {  	[tilespmem:s2+$0x0] =	vst v12  }
0x81: {  	[tilespmem:s2+$0xFFFFFFA0] =	vst v9;
	v6 =	vld.idx.msk [tilespmem:v6+s26+$0x0], $0xffff  }
0x82: {  	v5 =	vld.idx.msk [tilespmem:v5+s26+$0x0], $0xffff;
	[tilespmem:s2+$0xFFFFFFB0] =	vst v10  }
0x83: {  	[tilespmem:s2+$0xFFFFFFC0] =	vst v8  }
0x84: {  	[tilespmem:s2+$0xFFFFFFD0] =	vst v7  }
0x85: {  	[tilespmem:s2+$0xFFFFFFE0] =	vst v11  }
0x86: {  	[tilespmem:s2+$0xFFFFFF90] =	vst v6  }
0x87: {  	s17 =	sadd.s32 $0x0, s11;
	s18 =	simm.s32 $0x7000;
	[tilespmem:s2+$0xFFFFFFF0] =	vst v5;
	s2 =	simm.s32 $0x800  }
.LBB2_6:
0x88: {  	[hbm4b:s17+s3] =	stream.linear.scatter [tilespmem:s18], [sflag:$0x5], $0x100, $0x38;
	[tilespmem:$0xD500] =	vst v63  }
0x89: {  	s17 =	smov.u32 s2;
	p0 =	sne.s32 s2, $0x18800  }
.Ltmp2:
0x8a: {  	s2 =	sadd.s32 $0x800, s2;
	(pc) =	sbr.rel @p0 .LBB2_6-.Ltmp2, $3  }
0x8b: {  	_ =	sdelay $0x1  }
0x8c: {  	s18 =	sshra.s32 s17, $0x2  }
0x8d: {  	s17 =	sadd.s32 s17, s11;
	s18 =	sadd.s32 $0x7000, s18  }
0x8e: {  	[hbm4b:s17+s3] =	stream.linear.scatter [tilespmem:s18], [sflag:$0x5], $0x100, $0x38;
	[tilespmem:$0xD500] =	vst v63  }
0x8f: {  	_ =	swait.ge [sflag:s30], $0x1900  }
0x90: {  	[sflag:s30] =	ssyncset.done $0x0  }
0x91: {  	s2 =	simm.s32 $0x3840;
	[sflag:s30] =	ssyncadd.s32 $0xFFFFE700  }
0x92: {  	v5 =	vld [tilespmem:s2+$0x30]  }
0x93: {  	v6 =	vld [tilespmem:s2+$0xFFFFFFD0]  }
0x94: {  	v7 =	vld [tilespmem:s2+$0xFFFFFFE0]  }
0x95: {  	v8 =	vld [tilespmem:s2+$0xFFFFFFF0]  }
0x96: {  	v9 =	vld [tilespmem:s2+$0x0]  }
0x97: {  	v10 =	vld [tilespmem:s2+$0x10];
	v5 =	vand.u32 $0x3F, v5  }
0x98: {  	v6 =	vand.u32 $0x3F, v6  }
0x99: {  	v7 =	vand.u32 $0x3F, v7  }
0x9a: {  	v11 =	vld [tilespmem:s2+$0x20];
	v8 =	vand.u32 $0x3F, v8  }
0x9b: {  	v13 =	vld [tilespmem:s2+$0xFFFFFFC0];
	v14 =	vand.u32 $0x3F, v9  }
0x9c: {  	v15 =	vand.u32 $0x3F, v10;
	v12 =	vld.idx.msk [tilespmem:v5+s26+$0x0], $0xffff  }
0x9d: {  	v9 =	vld.idx.msk [tilespmem:v6+s26+$0x0], $0xffff  }
0x9e: {  	v10 =	vld.idx.msk [tilespmem:v7+s26+$0x0], $0xffff  }
0x9f: {  	v8 =	vld.idx.msk [tilespmem:v8+s26+$0x0], $0xffff  }
0xa0: {  	v7 =	vld.idx.msk [tilespmem:v14+s26+$0x0], $0xffff  }
0xa1: {  	s17 =	simm.s32 $0x0;
	s18 =	simm.s32 $0x38C0;
	s2 =	simm.s32 $0x7170;
	v5 =	vand.u32 $0x3F, v11;
	v6 =	vand.u32 $0x3F, v13;
	v11 =	vld.idx.msk [tilespmem:v15+s26+$0x0], $0xffff  }
.LBB2_8:
0xa2: {  	v13 =	vld [tilespmem:s18+$0x30];
	s17 =	sadd.s32 $0x8, s17;
	[tilespmem:s2+$0x0] =	vst v12  }
0xa3: {  	v12 =	vld [tilespmem:s18+$0xFFFFFFD0];
	p0 =	slt.u32 s17, $0x188;
	[tilespmem:s2+$0xFFFFFFA0] =	vst v9  }
0xa4: {  	v9 =	vld [tilespmem:s18+$0xFFFFFFE0];
	[tilespmem:s2+$0xFFFFFFB0] =	vst v10  }
0xa5: {  	v10 =	vld [tilespmem:s18+$0xFFFFFFF0];
	[tilespmem:s2+$0xFFFFFFC0] =	vst v8  }
0xa6: {  	v8 =	vld [tilespmem:s18+$0x0];
	[tilespmem:s2+$0xFFFFFFD0] =	vst v7  }
0xa7: {  	v7 =	vld [tilespmem:s18+$0x10];
	v13 =	vand.u32 $0x3F, v13;
	[tilespmem:s2+$0xFFFFFFE0] =	vst v11  }
0xa8: {  	v11 =	vand.u32 $0x3F, v12;
	v14 =	vld [tilespmem:s18+$0x20]  }
0xa9: {  	v15 =	vld [tilespmem:s18+$0xFFFFFFC0];
	v16 =	vand.u32 $0x3F, v9  }
0xaa: {  	v17 =	vand.u32 $0x3F, v10;
	v18 =	vld.idx.msk [tilespmem:v6+s26+$0x0], $0xffff  }
0xab: {  	v19 =	vand.u32 $0x3F, v8;
	v20 =	vld.idx.msk [tilespmem:v5+s26+$0x0], $0xffff  }
0xac: {  	v21 =	vand.u32 $0x3F, v7;
	v12 =	vld.idx.msk [tilespmem:v13+s26+$0x0], $0xffff  }
.Ltmp3:
0xad: {  	v9 =	vld.idx.msk [tilespmem:v11+s26+$0x0], $0xffff;
	v5 =	vand.u32 $0x3F, v14;
	(pc) =	sbr.rel @p0 .LBB2_8-.Ltmp3, $4  }
0xae: {  	v6 =	vand.u32 $0x3F, v15;
	v10 =	vld.idx.msk [tilespmem:v16+s26+$0x0], $0xffff  }
0xaf: {  	v8 =	vld.idx.msk [tilespmem:v17+s26+$0x0], $0xffff  }
0xb0: {  	v7 =	vld.idx.msk [tilespmem:v19+s26+$0x0], $0xffff;
	[tilespmem:s2+$0xFFFFFF90] =	vst v18  }
0xb1: {  	s18 =	sadd.s32 $0x80, s18;
	v11 =	vld.idx.msk [tilespmem:v21+s26+$0x0], $0xffff;
	[tilespmem:s2+$0xFFFFFFF0] =	vst v20;
	s2 =	sadd.s32 $0x200, s2  }
0xb2: {  	_ =	sdelay $0x2  }
0xb3: {  	[tilespmem:s2+$0x0] =	vst v12  }
0xb4: {  	[tilespmem:s2+$0xFFFFFFA0] =	vst v9;
	v6 =	vld.idx.msk [tilespmem:v6+s26+$0x0], $0xffff  }
0xb5: {  	v5 =	vld.idx.msk [tilespmem:v5+s26+$0x0], $0xffff;
	[tilespmem:s2+$0xFFFFFFB0] =	vst v10  }
0xb6: {  	[tilespmem:s2+$0xFFFFFFC0] =	vst v8  }
0xb7: {  	[tilespmem:s2+$0xFFFFFFD0] =	vst v7  }
0xb8: {  	[tilespmem:s2+$0xFFFFFFE0] =	vst v11  }
0xb9: {  	[tilespmem:s2+$0xFFFFFF90] =	vst v6  }
0xba: {  	[tilespmem:s2+$0xFFFFFFF0] =	vst v5  }
0xbb: {  	_ =	swait.ge [sflag:s31], $0x1900  }
0xbc: {  	[sflag:s31] =	ssyncset.done $0x0  }
0xbd: {  	s18 =	simm.s32 $0x5440;
	[sflag:s31] =	ssyncadd.s32 $0xFFFFE700  }
0xbe: {  	v5 =	vld [tilespmem:s18+$0x30]  }
0xbf: {  	v6 =	vld [tilespmem:s18+$0xFFFFFFD0]  }
0xc0: {  	v7 =	vld [tilespmem:s18+$0xFFFFFFE0]  }
0xc1: {  	v8 =	vld [tilespmem:s18+$0xFFFFFFF0]  }
0xc2: {  	v9 =	vld [tilespmem:s18+$0x0]  }
0xc3: {  	v10 =	vld [tilespmem:s18+$0x10];
	v5 =	vand.u32 $0x3F, v5  }
0xc4: {  	v6 =	vand.u32 $0x3F, v6  }
0xc5: {  	v7 =	vand.u32 $0x3F, v7  }
0xc6: {  	v11 =	vld [tilespmem:s18+$0x20];
	v8 =	vand.u32 $0x3F, v8  }
0xc7: {  	v13 =	vld [tilespmem:s18+$0xFFFFFFC0];
	v14 =	vand.u32 $0x3F, v9  }
0xc8: {  	v15 =	vand.u32 $0x3F, v10;
	v12 =	vld.idx.msk [tilespmem:v5+s26+$0x0], $0xffff  }
0xc9: {  	v9 =	vld.idx.msk [tilespmem:v6+s26+$0x0], $0xffff  }
0xca: {  	v10 =	vld.idx.msk [tilespmem:v7+s26+$0x0], $0xffff  }
0xcb: {  	v8 =	vld.idx.msk [tilespmem:v8+s26+$0x0], $0xffff  }
0xcc: {  	v7 =	vld.idx.msk [tilespmem:v14+s26+$0x0], $0xffff  }
0xcd: {  	s17 =	simm.s32 $0x0;
	s2 =	simm.s32 $0x71F0;
	s18 =	simm.s32 $0x54C0;
	v5 =	vand.u32 $0x3F, v11;
	v6 =	vand.u32 $0x3F, v13;
	v11 =	vld.idx.msk [tilespmem:v15+s26+$0x0], $0xffff  }
.LBB2_10:
0xce: {  	v13 =	vld [tilespmem:s18+$0x30];
	s17 =	sadd.s32 $0x8, s17;
	[tilespmem:s2+$0x0] =	vst v12  }
0xcf: {  	v12 =	vld [tilespmem:s18+$0xFFFFFFD0];
	p0 =	slt.u32 s17, $0x188;
	[tilespmem:s2+$0xFFFFFFA0] =	vst v9  }
0xd0: {  	v9 =	vld [tilespmem:s18+$0xFFFFFFE0];
	[tilespmem:s2+$0xFFFFFFB0] =	vst v10  }
0xd1: {  	v10 =	vld [tilespmem:s18+$0xFFFFFFF0];
	[tilespmem:s2+$0xFFFFFFC0] =	vst v8  }
0xd2: {  	v8 =	vld [tilespmem:s18+$0x0];
	[tilespmem:s2+$0xFFFFFFD0] =	vst v7  }
0xd3: {  	v7 =	vld [tilespmem:s18+$0x10];
	v13 =	vand.u32 $0x3F, v13;
	[tilespmem:s2+$0xFFFFFFE0] =	vst v11  }
0xd4: {  	v11 =	vand.u32 $0x3F, v12;
	v14 =	vld [tilespmem:s18+$0x20]  }
0xd5: {  	v15 =	vld [tilespmem:s18+$0xFFFFFFC0];
	v16 =	vand.u32 $0x3F, v9  }
0xd6: {  	v17 =	vand.u32 $0x3F, v10;
	v18 =	vld.idx.msk [tilespmem:v6+s26+$0x0], $0xffff  }
0xd7: {  	v19 =	vand.u32 $0x3F, v8;
	v20 =	vld.idx.msk [tilespmem:v5+s26+$0x0], $0xffff  }
0xd8: {  	v21 =	vand.u32 $0x3F, v7;
	v12 =	vld.idx.msk [tilespmem:v13+s26+$0x0], $0xffff  }
.Ltmp4:
0xd9: {  	v9 =	vld.idx.msk [tilespmem:v11+s26+$0x0], $0xffff;
	v5 =	vand.u32 $0x3F, v14;
	(pc) =	sbr.rel @p0 .LBB2_10-.Ltmp4, $4  }
0xda: {  	v6 =	vand.u32 $0x3F, v15;
	v10 =	vld.idx.msk [tilespmem:v16+s26+$0x0], $0xffff  }
0xdb: {  	v8 =	vld.idx.msk [tilespmem:v17+s26+$0x0], $0xffff  }
0xdc: {  	v7 =	vld.idx.msk [tilespmem:v19+s26+$0x0], $0xffff;
	[tilespmem:s2+$0xFFFFFF90] =	vst v18  }
0xdd: {  	s18 =	sadd.s32 $0x80, s18;
	v11 =	vld.idx.msk [tilespmem:v21+s26+$0x0], $0xffff;
	[tilespmem:s2+$0xFFFFFFF0] =	vst v20;
	s2 =	sadd.s32 $0x200, s2  }
0xde: {  	_ =	sdelay $0x2  }
0xdf: {  	[tilespmem:s2+$0x0] =	vst v12  }
0xe0: {  	[tilespmem:s2+$0xFFFFFFA0] =	vst v9;
	v6 =	vld.idx.msk [tilespmem:v6+s26+$0x0], $0xffff  }
0xe1: {  	v5 =	vld.idx.msk [tilespmem:v5+s26+$0x0], $0xffff;
	[tilespmem:s2+$0xFFFFFFB0] =	vst v10  }
0xe2: {  	[tilespmem:s2+$0xFFFFFFC0] =	vst v8  }
0xe3: {  	[tilespmem:s2+$0xFFFFFFD0] =	vst v7  }
0xe4: {  	[tilespmem:s2+$0xFFFFFFE0] =	vst v11  }
0xe5: {  	[tilespmem:s2+$0xFFFFFF90] =	vst v6  }
0xe6: {  	s17 =	sadd.s32 $0x0, s14;
	s18 =	simm.s32 $0x7100;
	[tilespmem:s2+$0xFFFFFFF0] =	vst v5;
	s2 =	simm.s32 $0x800  }
.LBB2_12:
0xe7: {  	[hbm4b:s17+s3] =	stream.linear.scatter [tilespmem:s18], [sflag:$0x5], $0x100, $0x38;
	[tilespmem:$0xD500] =	vst v63  }
0xe8: {  	s17 =	smov.u32 s2;
	p0 =	sne.s32 s2, $0x18800  }
.Ltmp5:
0xe9: {  	s2 =	sadd.s32 $0x800, s2;
	(pc) =	sbr.rel @p0 .LBB2_12-.Ltmp5, $3  }
0xea: {  	_ =	sdelay $0x1  }
0xeb: {  	s18 =	sshra.s32 s17, $0x2  }
0xec: {  	s17 =	sadd.s32 s17, s14;
	s18 =	sadd.s32 $0x7100, s18  }
0xed: {  	s1 =	sadd.s32 $0x1, s1  }
0xee: {  	p0 =	sne.s32 s1, s13  }
.Ltmp6:
0xef: {  	_ = 	snop;
	(pc) =	sbr.rel @p0 .LBB2_1-.Ltmp6, $4  }
0xf0: {  	[hbm4b:s17+s3] =	stream.linear.scatter [tilespmem:s18], [sflag:$0x5], $0x100, $0x38;
	[tilespmem:$0xD500] =	vst v63  }
0xf1: {  	_ =	swait.ge [sflag:s0], $0x6400  }
0xf2: {  	[sflag:s0] =	ssyncset.done $0x0  }
0xf3: {  	[sflag:s0] =	ssyncadd.s32 $0xFFFF9C00  }
0xf4: {  	_ =	sfence.sel $0x180000  }
0xf5: {  	[bflag:$0x0] =	sbarrier.arrive $0xFFFF  }
0xf6: {  	_ =	strace $0x90000047  }
0xf7: {  	s0 =	stileid.u32;
	[bflag:$0x2] =	sbarrier.arrive $0xFFFF  }
0xf8: {  	p0 =	sne.s32 s0, $0x0;
	s0 =	rddreg [dreg:$0x3]  }
0xf9: {  	s0 =	sadd.s32 @!p0 $0x100000, s0  }
0xfa: {  	[sflag:s0] =	ssyncadd.tile.s32 @!p0 $0x1;
	_ =	shalt  }
.Lfunc_end2:
_tile_overlayer_lowered:
.L_overlay_start_2:
0xfb: {  	(tag) =	ssettag $0x2  }
0xfc: {  	s0 =	rddreg [dreg:$0x0];
	s2 =	stileid.u32  }
0xfd: {  	s1 =	rddreg [dreg:$0x1];
	p0 =	sne.s32 s2, $0x0  }
0xfe: {  	s3 =	rddreg [dreg:$0x2];
	[bflag:$0x3] =	sbarrier.arrive $0xFFFF;
	s2 =	simm.s32 @!p0 $0x1C06  }
0xff: {  	[timem:s3], [sflag:s2] =	dma.local @!p0 [hbm:s0], s1  }
0x100: {  	s0 =	simm.s32 @!p0 $0x6  }
0x101: {  	_ =	swait.ge @!p0 [sflag:s0], s1  }
0x102: {  	s1 =	ssub.s32 @!p0 $0x0, s1;
	[sflag:s0] =	ssyncset.done @!p0 $0x0  }
0x103: {  	[sflag:s0] =	ssyncadd.s32 @!p0 s1  }
0x104: {  	[bflag:$0x3] =	sbarrier.arrive $0xFFFF  }
0x105: {  	_ =	shalt  }

</sc_bundles>
